<compile_context>
chip_gen: v7x
topology: tpu7x:2x2x1
jax: 0.10.2.dev20260603
libtpu: 0.0.44.dev20260713+nightly
codegen_flags: <defaults>
</compile_context>

<pallas_src>
import functools

import jax
import jax.numpy as jnp
from jax.experimental import pallas as pl
from jax.experimental.pallas import tpu as pltpu
from jax.experimental.pallas import tpu_sc as plsc

_B, _S, _H = 4, 8192, 2048


def _entity_gather(pos_hbm, table_hbm, out1_hbm, out2_hbm, pos_smem, sem):
    pltpu.sync_copy(pos_hbm, pos_smem)
    for b in range(_B):
        r1 = pos_smem[b] + b * _S
        pltpu.async_copy(table_hbm.at[pl.ds(r1, 1)], out1_hbm.at[pl.ds(b, 1)], sem)
        r2 = pos_smem[_B + b] + b * _S
        pltpu.async_copy(table_hbm.at[pl.ds(r2, 1)], out2_hbm.at[pl.ds(b, 1)], sem)
    for b in range(_B):
        pltpu.make_async_copy(
            table_hbm.at[pl.ds(0, 1)], out1_hbm.at[pl.ds(b, 1)], sem
        ).wait()
        pltpu.make_async_copy(
            table_hbm.at[pl.ds(0, 1)], out2_hbm.at[pl.ds(b, 1)], sem
        ).wait()


@jax.jit
def _run(table, posflat):
    mesh = plsc.ScalarSubcoreMesh(axis_name="c", num_cores=1)
    f = functools.partial(
        pl.kernel,
        mesh=mesh,
        out_type=(
            jax.ShapeDtypeStruct((_B, _H), jnp.float32),
            jax.ShapeDtypeStruct((_B, _H), jnp.float32),
        ),
        scratch_types=[
            pltpu.SMEM((2 * _B,), jnp.int32),
            pltpu.SemaphoreType.DMA,
        ],
    )(_entity_gather)
    return f(posflat, table)


def kernel(token_embs, pos1, pos2, mask):
    B, S, H = token_embs.shape
    table = token_embs.reshape(B * S, H)
    posflat = jnp.concatenate([pos1[:, 0], pos2[:, 0]]).astype(jnp.int32)
    return _run(table, posflat)

# --- scband reference (transcript-rebuilt; emitter-appended) ---
"""Pipeline reference for scband-entity-marker-encoder-45122926411967 (READ-ONLY COPY).

The authoritative reference and input builder live on the scoring server;
editing this copy changes nothing except your own understanding.
"""

import jax, jax.numpy as jnp
import numpy as np


def setup_inputs(seed: int = 0) -> dict:
    key = jax.random.key(seed)
    k1, k2, k3 = jax.random.split(key, 3)
    B, S, H = 4, 8192, 2048
    token_embs = jax.random.normal(k1, (B, S, H), dtype=jnp.float32)
    pos1 = jax.random.randint(k2, (B, 2), 0, S, dtype=jnp.int64)
    pos2 = jax.random.randint(k3, (B, 2), 0, S, dtype=jnp.int64)
    mask = jnp.ones((B, S), dtype=jnp.bool_)
    return {"token_embs": token_embs, "pos1": pos1, "pos2": pos2, "mask": mask}


def extract_entity(x, e):
    bsz = x.shape[0]
    return x[jnp.arange(bsz), e[:, 0]]


def reference(token_embs, pos1, pos2, mask):
    hidden1 = extract_entity(token_embs, pos1)
    hidden2 = extract_entity(token_embs, pos2)
    return (hidden1, hidden2)

if __name__ == "__main__":
    import jax
    _d = setup_inputs()
    print(jax.jit(kernel)(*tuple(_d.values())))

</pallas_src>

<mosaic_0001>
#map = affine_map<(d0) -> (0)>
#map1 = affine_map<(d0) -> (0, 0)>
module attributes {stable_mosaic.version = 14 : i64} {
  func.func @_entity_gather(%arg0: i32, %arg1: memref<8xi32, #tpu.memory_space<hbm>>, %arg2: memref<32768x2048xf32, #tpu.memory_space<hbm>>, %arg3: memref<4x2048xf32, #tpu.memory_space<hbm>>, %arg4: memref<4x2048xf32, #tpu.memory_space<hbm>>, %arg5: memref<8xi32, #tpu.memory_space<smem>>, %arg6: memref<!tpu.dma_semaphore, #tpu.memory_space<semaphore_mem>>) attributes {dimension_semantics = [#tpu.dimension_semantics<core_parallel>], iteration_bounds = array<i64: 1>, scalar_prefetch = 0 : i64, scratch_operands = 2 : i64, tpu.core_type = #tpu.core_type<sc_scalar_subcore>, window_params = [{transform_indices = #map}, {transform_indices = #map1}, {transform_indices = #map1}, {transform_indices = #map1}]} {
    "tpu.region"() ({
      %run_scoped3A = tpu.sem_alloc : memref<!tpu.dma_semaphore, #tpu.memory_space<semaphore_mem>>
      tpu.enqueue_dma source(%arg1 : memref<8xi32, #tpu.memory_space<hbm>>) target(%arg5 : memref<8xi32, #tpu.memory_space<smem>>) target_semaphore(%run_scoped3A : memref<!tpu.dma_semaphore, #tpu.memory_space<semaphore_mem>>)
      tpu.wait_dma2 semaphore(%run_scoped3A : memref<!tpu.dma_semaphore, #tpu.memory_space<semaphore_mem>>) src(%arg1 : memref<8xi32, #tpu.memory_space<hbm>>) dst(%arg5 : memref<8xi32, #tpu.memory_space<smem>>)
      tpu.yield
    }) : () -> ()
    %get3A = arith.constant 0 : i32
    %get3A_0 = arith.index_cast %get3A : i32 to index
    %get3A_1 = memref.load %arg5[%get3A_0] : memref<8xi32, #tpu.memory_space<smem>>
    %add3A = arith.constant 0 : i32
    %add3A_2 = arith.addi %get3A_1, %add3A : i32
    %dma_start3A = arith.constant 0 : i32
    %dma_start3A_3 = arith.constant 0 : i32
    %dma_start3A_4 = tpu.memref_slice %arg3[%dma_start3A, %dma_start3A_3] : memref<4x2048xf32, #tpu.memory_space<hbm>> -> memref<1x2048xf32, #tpu.memory_space<hbm>>
    %dma_start3A_5 = arith.constant 0 : i32
    %dma_start3A_6 = tpu.memref_slice %arg2[%add3A_2, %dma_start3A_5] : memref<32768x2048xf32, #tpu.memory_space<hbm>> -> memref<1x2048xf32, #tpu.memory_space<hbm>>
    tpu.enqueue_dma source(%dma_start3A_6 : memref<1x2048xf32, #tpu.memory_space<hbm>>) target(%dma_start3A_4 : memref<1x2048xf32, #tpu.memory_space<hbm>>) target_semaphore(%arg6 : memref<!tpu.dma_semaphore, #tpu.memory_space<semaphore_mem>>)
    %get3A_7 = arith.constant 4 : i32
    %get3A_8 = arith.index_cast %get3A_7 : i32 to index
    %get3A_9 = memref.load %arg5[%get3A_8] : memref<8xi32, #tpu.memory_space<smem>>
    %add3A_10 = arith.constant 0 : i32
    %add3A_11 = arith.addi %get3A_9, %add3A_10 : i32
    %dma_start3A_12 = arith.constant 0 : i32
    %dma_start3A_13 = arith.constant 0 : i32
    %dma_start3A_14 = tpu.memref_slice %arg4[%dma_start3A_12, %dma_start3A_13] : memref<4x2048xf32, #tpu.memory_space<hbm>> -> memref<1x2048xf32, #tpu.memory_space<hbm>>
    %dma_start3A_15 = arith.constant 0 : i32
    %dma_start3A_16 = tpu.memref_slice %arg2[%add3A_11, %dma_start3A_15] : memref<32768x2048xf32, #tpu.memory_space<hbm>> -> memref<1x2048xf32, #tpu.memory_space<hbm>>
    tpu.enqueue_dma source(%dma_start3A_16 : memref<1x2048xf32, #tpu.memory_space<hbm>>) target(%dma_start3A_14 : memref<1x2048xf32, #tpu.memory_space<hbm>>) target_semaphore(%arg6 : memref<!tpu.dma_semaphore, #tpu.memory_space<semaphore_mem>>)
    %get3A_17 = arith.constant 1 : i32
    %get3A_18 = arith.index_cast %get3A_17 : i32 to index
    %get3A_19 = memref.load %arg5[%get3A_18] : memref<8xi32, #tpu.memory_space<smem>>
    %add3A_20 = arith.constant 8192 : i32
    %add3A_21 = arith.addi %get3A_19, %add3A_20 : i32
    %dma_start3A_22 = arith.constant 1 : i32
    %dma_start3A_23 = arith.constant 0 : i32
    %dma_start3A_24 = tpu.memref_slice %arg3[%dma_start3A_22, %dma_start3A_23] : memref<4x2048xf32, #tpu.memory_space<hbm>> -> memref<1x2048xf32, #tpu.memory_space<hbm>>
    %dma_start3A_25 = arith.constant 0 : i32
    %dma_start3A_26 = tpu.memref_slice %arg2[%add3A_21, %dma_start3A_25] : memref<32768x2048xf32, #tpu.memory_space<hbm>> -> memref<1x2048xf32, #tpu.memory_space<hbm>>
    tpu.enqueue_dma source(%dma_start3A_26 : memref<1x2048xf32, #tpu.memory_space<hbm>>) target(%dma_start3A_24 : memref<1x2048xf32, #tpu.memory_space<hbm>>) target_semaphore(%arg6 : memref<!tpu.dma_semaphore, #tpu.memory_space<semaphore_mem>>)
    %get3A_27 = arith.constant 5 : i32
    %get3A_28 = arith.index_cast %get3A_27 : i32 to index
    %get3A_29 = memref.load %arg5[%get3A_28] : memref<8xi32, #tpu.memory_space<smem>>
    %add3A_30 = arith.constant 8192 : i32
    %add3A_31 = arith.addi %get3A_29, %add3A_30 : i32
    %dma_start3A_32 = arith.constant 1 : i32
    %dma_start3A_33 = arith.constant 0 : i32
    %dma_start3A_34 = tpu.memref_slice %arg4[%dma_start3A_32, %dma_start3A_33] : memref<4x2048xf32, #tpu.memory_space<hbm>> -> memref<1x2048xf32, #tpu.memory_space<hbm>>
    %dma_start3A_35 = arith.constant 0 : i32
    %dma_start3A_36 = tpu.memref_slice %arg2[%add3A_31, %dma_start3A_35] : memref<32768x2048xf32, #tpu.memory_space<hbm>> -> memref<1x2048xf32, #tpu.memory_space<hbm>>
    tpu.enqueue_dma source(%dma_start3A_36 : memref<1x2048xf32, #tpu.memory_space<hbm>>) target(%dma_start3A_34 : memref<1x2048xf32, #tpu.memory_space<hbm>>) target_semaphore(%arg6 : memref<!tpu.dma_semaphore, #tpu.memory_space<semaphore_mem>>)
    %get3A_37 = arith.constant 2 : i32
    %get3A_38 = arith.index_cast %get3A_37 : i32 to index
    %get3A_39 = memref.load %arg5[%get3A_38] : memref<8xi32, #tpu.memory_space<smem>>
    %add3A_40 = arith.constant 16384 : i32
    %add3A_41 = arith.addi %get3A_39, %add3A_40 : i32
    %dma_start3A_42 = arith.constant 2 : i32
    %dma_start3A_43 = arith.constant 0 : i32
    %dma_start3A_44 = tpu.memref_slice %arg3[%dma_start3A_42, %dma_start3A_43] : memref<4x2048xf32, #tpu.memory_space<hbm>> -> memref<1x2048xf32, #tpu.memory_space<hbm>>
    %dma_start3A_45 = arith.constant 0 : i32
    %dma_start3A_46 = tpu.memref_slice %arg2[%add3A_41, %dma_start3A_45] : memref<32768x2048xf32, #tpu.memory_space<hbm>> -> memref<1x2048xf32, #tpu.memory_space<hbm>>
    tpu.enqueue_dma source(%dma_start3A_46 : memref<1x2048xf32, #tpu.memory_space<hbm>>) target(%dma_start3A_44 : memref<1x2048xf32, #tpu.memory_space<hbm>>) target_semaphore(%arg6 : memref<!tpu.dma_semaphore, #tpu.memory_space<semaphore_mem>>)
    %get3A_47 = arith.constant 6 : i32
    %get3A_48 = arith.index_cast %get3A_47 : i32 to index
    %get3A_49 = memref.load %arg5[%get3A_48] : memref<8xi32, #tpu.memory_space<smem>>
    %add3A_50 = arith.constant 16384 : i32
    %add3A_51 = arith.addi %get3A_49, %add3A_50 : i32
    %dma_start3A_52 = arith.constant 2 : i32
    %dma_start3A_53 = arith.constant 0 : i32
    %dma_start3A_54 = tpu.memref_slice %arg4[%dma_start3A_52, %dma_start3A_53] : memref<4x2048xf32, #tpu.memory_space<hbm>> -> memref<1x2048xf32, #tpu.memory_space<hbm>>
    %dma_start3A_55 = arith.constant 0 : i32
    %dma_start3A_56 = tpu.memref_slice %arg2[%add3A_51, %dma_start3A_55] : memref<32768x2048xf32, #tpu.memory_space<hbm>> -> memref<1x2048xf32, #tpu.memory_space<hbm>>
    tpu.enqueue_dma source(%dma_start3A_56 : memref<1x2048xf32, #tpu.memory_space<hbm>>) target(%dma_start3A_54 : memref<1x2048xf32, #tpu.memory_space<hbm>>) target_semaphore(%arg6 : memref<!tpu.dma_semaphore, #tpu.memory_space<semaphore_mem>>)
    %get3A_57 = arith.constant 3 : i32
    %get3A_58 = arith.index_cast %get3A_57 : i32 to index
    %get3A_59 = memref.load %arg5[%get3A_58] : memref<8xi32, #tpu.memory_space<smem>>
    %add3A_60 = arith.constant 24576 : i32
    %add3A_61 = arith.addi %get3A_59, %add3A_60 : i32
    %dma_start3A_62 = arith.constant 3 : i32
    %dma_start3A_63 = arith.constant 0 : i32
    %dma_start3A_64 = tpu.memref_slice %arg3[%dma_start3A_62, %dma_start3A_63] : memref<4x2048xf32, #tpu.memory_space<hbm>> -> memref<1x2048xf32, #tpu.memory_space<hbm>>
    %dma_start3A_65 = arith.constant 0 : i32
    %dma_start3A_66 = tpu.memref_slice %arg2[%add3A_61, %dma_start3A_65] : memref<32768x2048xf32, #tpu.memory_space<hbm>> -> memref<1x2048xf32, #tpu.memory_space<hbm>>
    tpu.enqueue_dma source(%dma_start3A_66 : memref<1x2048xf32, #tpu.memory_space<hbm>>) target(%dma_start3A_64 : memref<1x2048xf32, #tpu.memory_space<hbm>>) target_semaphore(%arg6 : memref<!tpu.dma_semaphore, #tpu.memory_space<semaphore_mem>>)
    %get3A_67 = arith.constant 7 : i32
    %get3A_68 = arith.index_cast %get3A_67 : i32 to index
    %get3A_69 = memref.load %arg5[%get3A_68] : memref<8xi32, #tpu.memory_space<smem>>
    %add3A_70 = arith.constant 24576 : i32
    %add3A_71 = arith.addi %get3A_69, %add3A_70 : i32
    %dma_start3A_72 = arith.constant 3 : i32
    %dma_start3A_73 = arith.constant 0 : i32
    %dma_start3A_74 = tpu.memref_slice %arg4[%dma_start3A_72, %dma_start3A_73] : memref<4x2048xf32, #tpu.memory_space<hbm>> -> memref<1x2048xf32, #tpu.memory_space<hbm>>
    %dma_start3A_75 = arith.constant 0 : i32
    %dma_start3A_76 = tpu.memref_slice %arg2[%add3A_71, %dma_start3A_75] : memref<32768x2048xf32, #tpu.memory_space<hbm>> -> memref<1x2048xf32, #tpu.memory_space<hbm>>
    tpu.enqueue_dma source(%dma_start3A_76 : memref<1x2048xf32, #tpu.memory_space<hbm>>) target(%dma_start3A_74 : memref<1x2048xf32, #tpu.memory_space<hbm>>) target_semaphore(%arg6 : memref<!tpu.dma_semaphore, #tpu.memory_space<semaphore_mem>>)
    %dma_wait3A = arith.constant 0 : i32
    %dma_wait3A_77 = arith.constant 0 : i32
    %dma_wait3A_78 = tpu.memref_slice %arg3[%dma_wait3A, %dma_wait3A_77] : memref<4x2048xf32, #tpu.memory_space<hbm>> -> memref<1x2048xf32, #tpu.memory_space<hbm>>
    %dma_wait3A_79 = arith.constant 0 : i32
    %dma_wait3A_80 = arith.constant 0 : i32
    %dma_wait3A_81 = tpu.memref_slice %arg2[%dma_wait3A_79, %dma_wait3A_80] : memref<32768x2048xf32, #tpu.memory_space<hbm>> -> memref<1x2048xf32, #tpu.memory_space<hbm>>
    tpu.wait_dma2 semaphore(%arg6 : memref<!tpu.dma_semaphore, #tpu.memory_space<semaphore_mem>>) src(%dma_wait3A_81 : memref<1x2048xf32, #tpu.memory_space<hbm>>) dst(%dma_wait3A_78 : memref<1x2048xf32, #tpu.memory_space<hbm>>)
    %dma_wait3A_82 = arith.constant 0 : i32
    %dma_wait3A_83 = arith.constant 0 : i32
    %dma_wait3A_84 = tpu.memref_slice %arg4[%dma_wait3A_82, %dma_wait3A_83] : memref<4x2048xf32, #tpu.memory_space<hbm>> -> memref<1x2048xf32, #tpu.memory_space<hbm>>
    %dma_wait3A_85 = arith.constant 0 : i32
    %dma_wait3A_86 = arith.constant 0 : i32
    %dma_wait3A_87 = tpu.memref_slice %arg2[%dma_wait3A_85, %dma_wait3A_86] : memref<32768x2048xf32, #tpu.memory_space<hbm>> -> memref<1x2048xf32, #tpu.memory_space<hbm>>
    tpu.wait_dma2 semaphore(%arg6 : memref<!tpu.dma_semaphore, #tpu.memory_space<semaphore_mem>>) src(%dma_wait3A_87 : memref<1x2048xf32, #tpu.memory_space<hbm>>) dst(%dma_wait3A_84 : memref<1x2048xf32, #tpu.memory_space<hbm>>)
    %dma_wait3A_88 = arith.constant 1 : i32
    %dma_wait3A_89 = arith.constant 0 : i32
    %dma_wait3A_90 = tpu.memref_slice %arg3[%dma_wait3A_88, %dma_wait3A_89] : memref<4x2048xf32, #tpu.memory_space<hbm>> -> memref<1x2048xf32, #tpu.memory_space<hbm>>
    %dma_wait3A_91 = arith.constant 0 : i32
    %dma_wait3A_92 = arith.constant 0 : i32
    %dma_wait3A_93 = tpu.memref_slice %arg2[%dma_wait3A_91, %dma_wait3A_92] : memref<32768x2048xf32, #tpu.memory_space<hbm>> -> memref<1x2048xf32, #tpu.memory_space<hbm>>
    tpu.wait_dma2 semaphore(%arg6 : memref<!tpu.dma_semaphore, #tpu.memory_space<semaphore_mem>>) src(%dma_wait3A_93 : memref<1x2048xf32, #tpu.memory_space<hbm>>) dst(%dma_wait3A_90 : memref<1x2048xf32, #tpu.memory_space<hbm>>)
    %dma_wait3A_94 = arith.constant 1 : i32
    %dma_wait3A_95 = arith.constant 0 : i32
    %dma_wait3A_96 = tpu.memref_slice %arg4[%dma_wait3A_94, %dma_wait3A_95] : memref<4x2048xf32, #tpu.memory_space<hbm>> -> memref<1x2048xf32, #tpu.memory_space<hbm>>
    %dma_wait3A_97 = arith.constant 0 : i32
    %dma_wait3A_98 = arith.constant 0 : i32
    %dma_wait3A_99 = tpu.memref_slice %arg2[%dma_wait3A_97, %dma_wait3A_98] : memref<32768x2048xf32, #tpu.memory_space<hbm>> -> memref<1x2048xf32, #tpu.memory_space<hbm>>
    tpu.wait_dma2 semaphore(%arg6 : memref<!tpu.dma_semaphore, #tpu.memory_space<semaphore_mem>>) src(%dma_wait3A_99 : memref<1x2048xf32, #tpu.memory_space<hbm>>) dst(%dma_wait3A_96 : memref<1x2048xf32, #tpu.memory_space<hbm>>)
    %dma_wait3A_100 = arith.constant 2 : i32
    %dma_wait3A_101 = arith.constant 0 : i32
    %dma_wait3A_102 = tpu.memref_slice %arg3[%dma_wait3A_100, %dma_wait3A_101] : memref<4x2048xf32, #tpu.memory_space<hbm>> -> memref<1x2048xf32, #tpu.memory_space<hbm>>
    %dma_wait3A_103 = arith.constant 0 : i32
    %dma_wait3A_104 = arith.constant 0 : i32
    %dma_wait3A_105 = tpu.memref_slice %arg2[%dma_wait3A_103, %dma_wait3A_104] : memref<32768x2048xf32, #tpu.memory_space<hbm>> -> memref<1x2048xf32, #tpu.memory_space<hbm>>
    tpu.wait_dma2 semaphore(%arg6 : memref<!tpu.dma_semaphore, #tpu.memory_space<semaphore_mem>>) src(%dma_wait3A_105 : memref<1x2048xf32, #tpu.memory_space<hbm>>) dst(%dma_wait3A_102 : memref<1x2048xf32, #tpu.memory_space<hbm>>)
    %dma_wait3A_106 = arith.constant 2 : i32
    %dma_wait3A_107 = arith.constant 0 : i32
    %dma_wait3A_108 = tpu.memref_slice %arg4[%dma_wait3A_106, %dma_wait3A_107] : memref<4x2048xf32, #tpu.memory_space<hbm>> -> memref<1x2048xf32, #tpu.memory_space<hbm>>
    %dma_wait3A_109 = arith.constant 0 : i32
    %dma_wait3A_110 = arith.constant 0 : i32
    %dma_wait3A_111 = tpu.memref_slice %arg2[%dma_wait3A_109, %dma_wait3A_110] : memref<32768x2048xf32, #tpu.memory_space<hbm>> -> memref<1x2048xf32, #tpu.memory_space<hbm>>
    tpu.wait_dma2 semaphore(%arg6 : memref<!tpu.dma_semaphore, #tpu.memory_space<semaphore_mem>>) src(%dma_wait3A_111 : memref<1x2048xf32, #tpu.memory_space<hbm>>) dst(%dma_wait3A_108 : memref<1x2048xf32, #tpu.memory_space<hbm>>)
    %dma_wait3A_112 = arith.constant 3 : i32
    %dma_wait3A_113 = arith.constant 0 : i32
    %dma_wait3A_114 = tpu.memref_slice %arg3[%dma_wait3A_112, %dma_wait3A_113] : memref<4x2048xf32, #tpu.memory_space<hbm>> -> memref<1x2048xf32, #tpu.memory_space<hbm>>
    %dma_wait3A_115 = arith.constant 0 : i32
    %dma_wait3A_116 = arith.constant 0 : i32
    %dma_wait3A_117 = tpu.memref_slice %arg2[%dma_wait3A_115, %dma_wait3A_116] : memref<32768x2048xf32, #tpu.memory_space<hbm>> -> memref<1x2048xf32, #tpu.memory_space<hbm>>
    tpu.wait_dma2 semaphore(%arg6 : memref<!tpu.dma_semaphore, #tpu.memory_space<semaphore_mem>>) src(%dma_wait3A_117 : memref<1x2048xf32, #tpu.memory_space<hbm>>) dst(%dma_wait3A_114 : memref<1x2048xf32, #tpu.memory_space<hbm>>)
    %dma_wait3A_118 = arith.constant 3 : i32
    %dma_wait3A_119 = arith.constant 0 : i32
    %dma_wait3A_120 = tpu.memref_slice %arg4[%dma_wait3A_118, %dma_wait3A_119] : memref<4x2048xf32, #tpu.memory_space<hbm>> -> memref<1x2048xf32, #tpu.memory_space<hbm>>
    %dma_wait3A_121 = arith.constant 0 : i32
    %dma_wait3A_122 = arith.constant 0 : i32
    %dma_wait3A_123 = tpu.memref_slice %arg2[%dma_wait3A_121, %dma_wait3A_122] : memref<32768x2048xf32, #tpu.memory_space<hbm>> -> memref<1x2048xf32, #tpu.memory_space<hbm>>
    tpu.wait_dma2 semaphore(%arg6 : memref<!tpu.dma_semaphore, #tpu.memory_space<semaphore_mem>>) src(%dma_wait3A_123 : memref<1x2048xf32, #tpu.memory_space<hbm>>) dst(%dma_wait3A_120 : memref<1x2048xf32, #tpu.memory_space<hbm>>)
    return
  }
}

</mosaic_0001>

<sc_bundles>
// kernel: _run.3.cloned.1.call-start
scs
__scs_entry_jumppad:
0x0: {  	(pc) =	sbr.rel $0x88, $3  }
0x1: {  	(tag) =	ssettag $0x0;
	lr =	simm.s32 $0x1  }
0x2: {  	[smem:$0x3F9F] =	sst lr;
	_ =	strace $0xD0000000  }
0x3: {  	_ = 	snop  }
0x4: {  	_ = 	snop  }
0x5: {  	_ = 	snop  }
0x6: {  	_ = 	snop  }
0x7: {  	_ = 	snop  }
__scs_overlays_trampoline_lowered:
0x8: {  	[smem:$0x3FAE] =	sst s0  }
0x9: {  	[smem:$0x3FAF] =	sst s1  }
0xa: {  	[smem:$0x3FB0] =	sst s2  }
0xb: {  	[smem:$0x3FB1] =	sst s3  }
0xc: {  	[smem:$0x3FB2] =	sst s4  }
0xd: {  	[smem:$0x3FB3] =	sst s5  }
0xe: {  	[smem:$0x3FB4] =	sst s6  }
0xf: {  	[smem:$0x3FB5] =	sst s7  }
0x10: {  	[smem:$0x3FB6] =	sst s8  }
0x11: {  	[smem:$0x3FB7] =	sst s9;
	s0 =	simm.s32 @!p0 $0x0  }
0x12: {  	s1 =	sld [smem:$0x3F9D];
	s0 =	simm.s32 @p0 $0x1  }
0x13: {  	[smem:$0x3FB8] =	sst s0;
	s0 =	simm.s32 @!p1 $0x0  }
0x14: {  	s2 =	sld [smem:$0x3F9C];
	s0 =	simm.s32 @p1 $0x1  }
0x15: {  	[smem:$0x3FB9] =	sst s0;
	s0 =	simm.s32 @!p2 $0x0  }
0x16: {  	s3 =	sld [smem:$0x3FDB];
	s0 =	simm.s32 @p2 $0x1  }
0x17: {  	s4 =	simm.s32 $0x1BF5;
	[smem:$0x3FBB] =	sst s0  }
0x18: {  	s0 =	sld [smem:$0x3F9E];
	_ =	swait.ge [sflag:s4], $0x0  }
0x19: {  	s7 =	sld [smem:$0x3F9F]  }
0x1a: {  	s8 =	sadd.s32 $0xFFFFE003, lr  }
0x1b: {  	s9 =	sadd.s32 $0xFFFFFEF7, lr;
	s5 =	simm.s32 $0xFFFFFFFF;
	p2 =	slt.u32 s8, $0xFFFFF086  }
0x1c: {  	p1 =	slt.u32 s9, $0xF7A;
	s5 =	simm.s32 @!p2 $0x0  }
0x1d: {  	s5 =	simm.s32 @p1 $0x1;
	p0 =	seq.s32 s7, s2  }
0x1e: {  	s7 =	smul.u32 @!p0 $0xF7A, s2;
	p2 =	seq.s32 @!p0 s5, $0x0  }
0x1f: {  	s9 =	smul.u32 $0xF7A, s1;
	s8 =	simm.s32 @!p0 $0x1BF5;
	p2 =	por !p2, p0  }
0x20: {  	[sflag:s8] =	ssyncset.s32 @!p0 $0xFFFFF086;
	s6 =	sadd.s32 @!p0 s3, s7;
	s7 =	simm.s32 @!p0 $0x108  }
0x21: {  	s3 =	sadd.s32 s3, s9;
	s6 =	sadd.s32 @!p0 $0x88, s6;
	s7 =	simm.s32 @p2 $0x1082  }
0x22: {  	[simem:s7], [sflag:s8] =	dma.local @!p0 [hbm:s6], $0xF7A  }
0x23: {  	s9 =	sor.u32 $0xD0000000, s2;
	s6 =	simm.s32 $0x108;
	_ =	swait.ge @!p0 [sflag:s8], $0x0  }
0x24: {  	s3 =	sadd.s32 $0x88, s3;
	s6 =	simm.s32 @!p1 $0x1082;
	[sflag:s4] =	ssyncset.s32 $0xFFFFF086  }
0x25: {  	[simem:s6], [sflag:s4] =	dma.local [hbm:s3], $0xF7A  }
0x26: {  	[smem:$0x3F9F] =	sst s1;
	(tag) =	ssettag s2;
	_ =	strace s9  }
0x27: {  	s1 =	sld [smem:$0x3FAF]  }
0x28: {  	s2 =	sld [smem:$0x3FB0]  }
0x29: {  	s4 =	sld [smem:$0x3FB2]  }
0x2a: {  	p0 =	seq.s32 s5, $0x0;
	s5 =	sld [smem:$0x3FB3]  }
0x2b: {  	s6 =	sld [smem:$0x3FB4]  }
0x2c: {  	s7 =	sld [smem:$0x3FB5]  }
0x2d: {  	s3 =	simm.s32 $0x108;
	s8 =	sld [smem:$0x3FB6]  }
0x2e: {  	s3 =	simm.s32 @!p0 $0x1082;
	s9 =	sld [smem:$0x3FB7]  }
0x2f: {  	lr =	sadd.s32 s0, s3;
	s0 =	sld [smem:$0x3FAE]  }
0x30: {  	s3 =	sld [smem:$0x3FB1]  }
0x31: {  	[smem:$0x3FBA] =	sst s10  }
0x32: {  	s10 =	sld [smem:$0x3FB8];
	_ =	sdelay $0x3  }
0x33: {  	p0 =	seq.s32 s10, $0x1;
	s10 =	sld [smem:$0x3FBA];
	_ =	sdelay $0x3  }
0x34: {  	[smem:$0x3FBA] =	sst s10  }
0x35: {  	s10 =	sld [smem:$0x3FB9];
	_ =	sdelay $0x3  }
0x36: {  	p1 =	seq.s32 s10, $0x1;
	s10 =	sld [smem:$0x3FBA];
	_ =	sdelay $0x3  }
0x37: {  	[smem:$0x3FBA] =	sst s10  }
0x38: {  	s10 =	sld [smem:$0x3FBB]  }
0x39: {  	_ = 	snop;
	(pc) =	sbr.ind lr, $3  }
0x3a: {  	_ = 	snop  }
0x3b: {  	_ = 	snop  }
0x3c: {  	p2 =	seq.s32 s10, $0x1;
	s10 =	sld [smem:$0x3FBA]  }
0x3d: {  	_ =	shalt  }
0x3e: {  	_ =	shalt  }
0x3f: {  	_ =	shalt  }
0x40: {  	_ =	shalt  }
0x41: {  	_ =	shalt  }
0x42: {  	_ =	shalt  }
0x43: {  	_ =	shalt  }
0x44: {  	_ =	shalt  }
0x45: {  	_ =	shalt  }
0x46: {  	_ =	shalt  }
0x47: {  	_ =	shalt  }
0x48: {  	_ =	shalt  }
0x49: {  	_ =	shalt  }
0x4a: {  	_ =	shalt  }
0x4b: {  	_ =	shalt  }
0x4c: {  	_ =	shalt  }
0x4d: {  	_ =	shalt  }
0x4e: {  	_ =	shalt  }
0x4f: {  	_ =	shalt  }
0x50: {  	_ =	shalt  }
0x51: {  	_ =	shalt  }
0x52: {  	_ =	shalt  }
0x53: {  	_ =	shalt  }
0x54: {  	_ =	shalt  }
0x55: {  	_ =	shalt  }
0x56: {  	_ =	shalt  }
0x57: {  	_ =	shalt  }
0x58: {  	_ =	shalt  }
0x59: {  	_ =	shalt  }
0x5a: {  	_ =	shalt  }
0x5b: {  	_ =	shalt  }
0x5c: {  	_ =	shalt  }
0x5d: {  	_ =	shalt  }
0x5e: {  	_ =	shalt  }
0x5f: {  	_ =	shalt  }
0x60: {  	_ =	shalt  }
0x61: {  	_ =	shalt  }
0x62: {  	_ =	shalt  }
0x63: {  	_ =	shalt  }
0x64: {  	_ =	shalt  }
0x65: {  	_ =	shalt  }
0x66: {  	_ =	shalt  }
0x67: {  	_ =	shalt  }
0x68: {  	_ =	shalt  }
0x69: {  	_ =	shalt  }
0x6a: {  	_ =	shalt  }
0x6b: {  	_ =	shalt  }
0x6c: {  	_ =	shalt  }
0x6d: {  	_ =	shalt  }
0x6e: {  	_ =	shalt  }
0x6f: {  	_ =	shalt  }
0x70: {  	_ =	shalt  }
0x71: {  	_ =	shalt  }
0x72: {  	_ =	shalt  }
0x73: {  	_ =	shalt  }
0x74: {  	_ =	shalt  }
0x75: {  	_ =	shalt  }
0x76: {  	_ =	shalt  }
0x77: {  	_ =	shalt  }
0x78: {  	_ =	shalt  }
0x79: {  	_ =	shalt  }
0x7a: {  	_ =	shalt  }
0x7b: {  	_ =	shalt  }
0x7c: {  	_ =	shalt  }
0x7d: {  	_ =	shalt  }
0x7e: {  	_ =	shalt  }
0x7f: {  	_ =	shalt  }
0x80: {  	_ =	shalt  }
0x81: {  	_ =	shalt  }
0x82: {  	_ =	shalt  }
0x83: {  	_ =	shalt  }
0x84: {  	_ =	shalt  }
0x85: {  	_ =	shalt  }
0x86: {  	_ =	shalt  }
0x87: {  	_ =	shalt  }
.Lfunc_end0:
.L_simem_size_0:
called_computation_lowered:
.L_overlay_start_0:
0x88: {  	s0 =	sld [smem:$0x3FD9]  }
0x89: {  	s1 =	sld [smem:$0x3FFE];
	_ =	sdelay $0x3  }
0x8a: {  	s0 =	sadd.s32 s1, s0  }
0x8b: {  	[smem:$0x3FC6] =	sst s0  }
0x8c: {  	_ = 	snop  }
0x8d: {  	s29 =	sld [smem:$0x3FD0];
	_ =	sdelay $0x1  }
0x8e: {  	s0 =	sld [smem:$0x3FC9]  }
0x8f: {  	s4 =	simm.s32 $0xB;
	s2 =	simm.s32 $0x90;
	s3 =	sld [smem:$0x3FC8]  }
0x90: {  	[smem:s2], [sflag:s4] =	dma.local [hbm:s29], $0x1  }
0x91: {  	_ =	swait.eq [sflag:s4], $0x1  }
0x92: {  	[sflag:s4] =	ssyncset.done $0x0;
	s30 =	sld [smem:$0x90]  }
0x93: {  	s7 =	simm.s32 $0x0;
	s31 =	sld [smem:$0x91];
	[sflag:s4] =	ssyncadd.s32 $0xFFFFFFFF  }
0x94: {  	[smem:$0xF] =	sst s7  }
0x95: {  	(tm) =	ssettm $0x1  }
0x96: {  	s8 =	sld [smem:$0x3FFB];
	_ =	sdelay $0x3  }
0x97: {  	_ =	strace s8  }
0x98: {  	s4 =	sld [smem:$0x3FFC];
	_ =	sdelay $0x3  }
0x99: {  	_ =	strace s4  }
0x9a: {  	s4 =	sld [smem:$0x3FFD];
	_ =	sdelay $0x3  }
0x9b: {  	_ =	strace s4  }
0x9c: {  	s9 =	simm.s32 $0x1B8B;
	_ =	strace $0x8FFFFFFF  }
0x9d: {  	_ =	swait.ge [sflag:s9], $0x1  }
0x9e: {  	[sflag:s9] =	ssyncset.done $0x0  }
0x9f: {  	s10 =	simm.s32 $0x1B8E;
	[sflag:s9] =	ssyncadd.s32 $0xFFFFFFFF  }
0xa0: {  	[smem:$0x3FD2] =	sst s10  }
0xa1: {  	s11 =	simm.s32 $0xA;
	s5 =	simm.s32 $0x10;
	_ =	strace $0x80000046  }
0xa2: {  	[smem:s5], [sflag:s11] =	dma.local [hbm:s3], $0x10  }
0xa3: {  	_ =	swait.ge [sflag:s11], $0x10  }
0xa4: {  	[sflag:s11] =	ssyncset.done $0x0  }
0xa5: {  	[sflag:s11] =	ssyncadd.s32 $0xFFFFFFF0  }
0xa6: {  	s12 =	sld [smem:$0x10];
	_ =	sdelay $0x3  }
0xa7: {  	s13 =	sshll.u32 s12, $0xB;
	s3 =	sshll.u32 s12, $0x7  }
0xa8: {  	s4 =	sand.u32 $0xFFFFC000, s13;
	s3 =	sand.u32 $0x380, s3  }
0xa9: {  	s3 =	sor.u32 s3, s4  }
0xaa: {  	s14 =	simm.s32 $0x1;
	s15 =	simm.s32 $0x40;
	s3 =	sshrl.u32 s3, $0x3  }
0xab: {  	s6 =	simm.s32 $0x80;
	s16 =	simm.s32 $0x9;
	s7 =	sadd.s32 s0, s3  }
0xac: {  	[hbm:s30@s15], [sflag:s16] =	dma.strided [hbm:s7@s6], $0x100, s14, $0x10   }
0xad: {  	s7 =	sld [smem:$0x14];
	_ =	sdelay $0x3  }
0xae: {  	s8 =	sshll.u32 s7, $0xB;
	s7 =	sshll.u32 s7, $0x7  }
0xaf: {  	s8 =	sand.u32 $0xFFFFC000, s8;
	s7 =	sand.u32 $0x380, s7  }
0xb0: {  	s7 =	sor.u32 s7, s8  }
0xb1: {  	s7 =	sshrl.u32 s7, $0x3  }
0xb2: {  	s7 =	sadd.s32 s0, s7  }
0xb3: {  	[hbm:s31@s15], [sflag:s16] =	dma.strided [hbm:s7@s6], $0x100, s14, $0x10   }
0xb4: {  	s7 =	sld [smem:$0x11];
	_ =	sdelay $0x3  }
0xb5: {  	s17 =	sshll.u32 s7, $0xB;
	s7 =	sshll.u32 s7, $0x7  }
0xb6: {  	s8 =	sand.u32 $0xFFFFC000, s17;
	s7 =	sand.u32 $0x380, s7  }
0xb7: {  	s7 =	sor.u32 s7, s8  }
0xb8: {  	s7 =	sadd.s32 $0x1000000, s7  }
0xb9: {  	s7 =	sshrl.u32 s7, $0x3  }
0xba: {  	s18 =	sadd.s32 $0x10, s30;
	s7 =	sadd.s32 s0, s7  }
0xbb: {  	[hbm:s18@s15], [sflag:s16] =	dma.strided [hbm:s7@s6], $0x100, s14, $0x10   }
0xbc: {  	s7 =	sld [smem:$0x15];
	_ =	sdelay $0x3  }
0xbd: {  	s19 =	sshll.u32 s7, $0xB;
	s7 =	sshll.u32 s7, $0x7  }
0xbe: {  	s8 =	sand.u32 $0xFFFFC000, s19;
	s7 =	sand.u32 $0x380, s7  }
0xbf: {  	s7 =	sor.u32 s7, s8  }
0xc0: {  	s7 =	sadd.s32 $0x1000000, s7  }
0xc1: {  	s7 =	sshrl.u32 s7, $0x3  }
0xc2: {  	s20 =	sadd.s32 $0x10, s31;
	s7 =	sadd.s32 s0, s7  }
0xc3: {  	[hbm:s20@s15], [sflag:s16] =	dma.strided [hbm:s7@s6], $0x100, s14, $0x10   }
0xc4: {  	s7 =	sld [smem:$0x12];
	_ =	sdelay $0x3  }
0xc5: {  	s21 =	sshll.u32 s7, $0xB;
	s7 =	sshll.u32 s7, $0x7  }
0xc6: {  	s8 =	sand.u32 $0xFFFFC000, s21;
	s7 =	sand.u32 $0x380, s7  }
0xc7: {  	s7 =	sor.u32 s7, s8  }
0xc8: {  	s7 =	sadd.s32 $0x2000000, s7  }
0xc9: {  	s7 =	sshrl.u32 s7, $0x3  }
0xca: {  	s22 =	sadd.s32 $0x20, s30;
	s7 =	sadd.s32 s0, s7  }
0xcb: {  	[hbm:s22@s15], [sflag:s16] =	dma.strided [hbm:s7@s6], $0x100, s14, $0x10   }
0xcc: {  	s7 =	sld [smem:$0x16];
	_ =	sdelay $0x3  }
0xcd: {  	s23 =	sshll.u32 s7, $0xB;
	s7 =	sshll.u32 s7, $0x7  }
0xce: {  	s8 =	sand.u32 $0xFFFFC000, s23;
	s7 =	sand.u32 $0x380, s7  }
0xcf: {  	s7 =	sor.u32 s7, s8  }
0xd0: {  	s7 =	sadd.s32 $0x2000000, s7  }
0xd1: {  	s7 =	sshrl.u32 s7, $0x3  }
0xd2: {  	s24 =	sadd.s32 $0x20, s31;
	s7 =	sadd.s32 s0, s7  }
0xd3: {  	[hbm:s24@s15], [sflag:s16] =	dma.strided [hbm:s7@s6], $0x100, s14, $0x10   }
0xd4: {  	s7 =	sld [smem:$0x13];
	_ =	sdelay $0x3  }
0xd5: {  	s25 =	sshll.u32 s7, $0xB;
	s7 =	sshll.u32 s7, $0x7  }
0xd6: {  	s8 =	sand.u32 $0xFFFFC000, s25;
	s7 =	sand.u32 $0x380, s7  }
0xd7: {  	s7 =	sor.u32 s7, s8  }
0xd8: {  	s7 =	sadd.s32 $0x3000000, s7  }
0xd9: {  	s7 =	sshrl.u32 s7, $0x3  }
0xda: {  	s2 =	sadd.s32 $0x30, s30;
	s7 =	sadd.s32 s0, s7  }
0xdb: {  	[hbm:s2@s15], [sflag:s16] =	dma.strided [hbm:s7@s6], $0x100, s14, $0x10   }
0xdc: {  	s2 =	sld [smem:$0x17];
	_ =	sdelay $0x3  }
0xdd: {  	s26 =	sshll.u32 s2, $0xB;
	s2 =	sshll.u32 s2, $0x7  }
0xde: {  	s7 =	sand.u32 $0xFFFFC000, s26;
	s2 =	sand.u32 $0x380, s2  }
0xdf: {  	s2 =	sor.u32 s2, s7  }
0xe0: {  	s2 =	sadd.s32 $0x3000000, s2  }
0xe1: {  	s2 =	sshrl.u32 s2, $0x3  }
0xe2: {  	s1 =	sadd.s32 $0x30, s31;
	s0 =	sadd.s32 s0, s2  }
0xe3: {  	[hbm:s1@s15], [sflag:s16] =	dma.strided [hbm:s0@s6], $0x100, s14, $0x10   }
0xe4: {  	_ =	swait.ge [sflag:s16], $0x100  }
0xe5: {  	[sflag:s16] =	ssyncset.done $0x0  }
0xe6: {  	[sflag:s16] =	ssyncadd.s32 $0xFFFFFF00;
	_ =	sdelay $0x2  }
0xe7: {  	_ =	swait.ge [sflag:s16], $0x100  }
0xe8: {  	[sflag:s16] =	ssyncset.done $0x0  }
0xe9: {  	[sflag:s16] =	ssyncadd.s32 $0xFFFFFF00;
	_ =	sdelay $0x2  }
0xea: {  	_ =	swait.ge [sflag:s16], $0x100  }
0xeb: {  	[sflag:s16] =	ssyncset.done $0x0  }
0xec: {  	[sflag:s16] =	ssyncadd.s32 $0xFFFFFF00;
	_ =	sdelay $0x2  }
0xed: {  	_ =	swait.ge [sflag:s16], $0x100  }
0xee: {  	[sflag:s16] =	ssyncset.done $0x0  }
0xef: {  	[sflag:s16] =	ssyncadd.s32 $0xFFFFFF00;
	_ =	sdelay $0x2  }
0xf0: {  	_ =	swait.ge [sflag:s16], $0x100  }
0xf1: {  	[sflag:s16] =	ssyncset.done $0x0  }
0xf2: {  	[sflag:s16] =	ssyncadd.s32 $0xFFFFFF00;
	_ =	sdelay $0x2  }
0xf3: {  	_ =	swait.ge [sflag:s16], $0x100  }
0xf4: {  	[sflag:s16] =	ssyncset.done $0x0  }
0xf5: {  	[sflag:s16] =	ssyncadd.s32 $0xFFFFFF00;
	_ =	sdelay $0x2  }
0xf6: {  	_ =	swait.ge [sflag:s16], $0x100  }
0xf7: {  	[sflag:s16] =	ssyncset.done $0x0  }
0xf8: {  	[sflag:s16] =	ssyncadd.s32 $0xFFFFFF00;
	_ =	sdelay $0x2  }
0xf9: {  	_ =	swait.ge [sflag:s16], $0x100  }
0xfa: {  	[sflag:s16] =	ssyncset.done $0x0  }
0xfb: {  	[sflag:s16] =	ssyncadd.s32 $0xFFFFFF00  }
0xfc: {  	_ =	strace $0x90000046  }
0xfd: {  	_ =	sfence  }
0xfe: {  	s28 =	sld [smem:$0x0];
	_ =	sdelay $0x1  }
0xff: {  	s29 =	srdreg.scid  }
0x100: {  	s30 =	sshll.u32 s29, $0xD;
	s31 =	sshrl.u32 s29, $0x2  }
0x101: {  	s2 =	sand.u32 $0x4000, s30;
	s1 =	sand.u32 $0x1, s29;
	s0 =	sadd.s32 s31, s28  }
0x102: {  	s1 =	sor.u32 s2, s1;
	s0 =	sshll.u32 s0, $0x11  }
0x103: {  	s0 =	sor.u32 s0, s1  }
0x104: {  	s0 =	sadd.s32 $0x8F2B, s0;
	(pc) =	sbr.abs _section_cstart, $3  }
0x105: {  	[sflag:s0] =	ssyncadd.remote.s32 $0x1  }
0x106: {  	_ =	strace $0x9FFFFFFF  }
0x107: {  	(tm) =	ssettm $0x7FFFFFFF  }

</sc_bundles>
